<compile_context>
chip_gen: v7x
topology: tpu7x:2x2x1
jax: 0.10.2.dev20260603
libtpu: 0.0.44.dev20260713+nightly
codegen_flags: <defaults>
</compile_context>

<pallas_src>
import functools

import jax
import jax.numpy as jnp
from jax import lax
from jax.experimental import pallas as pl
from jax.experimental.pallas import tpu as pltpu
from jax.experimental.pallas import tpu_sc as plsc

VOCAB = 100000
EMB_D = 16
BATCH = 1024

_NUM_CORES = 2
_NUM_SUBCORES = 16
_NW = _NUM_CORES * _NUM_SUBCORES
_BPW = BATCH // _NW

N_BLK = 2048
M_BLK = 2048
_PACK_ROWS = N_BLK // 8
_NROWS = pl.cdiv(VOCAB, N_BLK) * _PACK_ROWS


_RB = 8 * N_BLK
_RSTEPS = pl.cdiv(VOCAB, _RB)


def _repack_body(*refs):
    big = jnp.concatenate([r[...] for r in refs[:8]], axis=0)
    refs[8][...] = big.T


def _repack(table_t):
    table_t = jnp.pad(table_t, ((0, 0), (0, _RSTEPS * _RB - VOCAB)))
    in_specs = [
        pl.BlockSpec((EMB_D, N_BLK), (lambda i, g=g: (0, 8 * i + g)))
        for g in range(8)
    ]
    return pl.pallas_call(
        _repack_body,
        grid=(_RSTEPS,),
        in_specs=in_specs,
        out_specs=pl.BlockSpec((N_BLK, 128), lambda i: (i, 0)),
        out_shape=jax.ShapeDtypeStruct((_RSTEPS * N_BLK, 128), jnp.float32),
    )(*([table_t] * 8))


def _sc_gather(packed16, idx):
    mesh = plsc.VectorSubcoreMesh(core_axis_name="c", subcore_axis_name="s")

    @functools.partial(
        pl.kernel,
        mesh=mesh,
        compiler_params=pltpu.CompilerParams(use_tc_tiling_on_sc=False),
        out_type=jax.ShapeDtypeStruct((BATCH, EMB_D), jnp.float32),
        scratch_types=[
            pltpu.VMEM((_BPW,), jnp.int32),
            pltpu.VMEM((_BPW,), jnp.int32),
            pltpu.VMEM((_BPW, EMB_D), jnp.float32),
            pltpu.SemaphoreType.DMA,
        ],
    )
    def k(packed_hbm, idx_hbm, out_hbm, ids_v, rows_i, emb_v, sem):
        wid = lax.axis_index("s") * _NUM_CORES + lax.axis_index("c")
        base = wid * _BPW
        pltpu.sync_copy(idx_hbm.at[pl.ds(base, _BPW)], ids_v)
        for c in range(_BPW // 16):
            v = ids_v[pl.ds(c * 16, 16)]
            rows_i[pl.ds(c * 16, 16)] = (
                ((v >> 14) << 14) + ((v & 2047) << 3) + ((v >> 11) & 7))
        pltpu.async_copy(packed_hbm.at[rows_i], emb_v, sem).wait()
        pltpu.sync_copy(emb_v, out_hbm.at[pl.ds(base, _BPW)])

    return k(packed16, idx)


def _mm_t_body(wt_ref, b_ref, emb_ref, out_ref):
    wt = jnp.concatenate([wt_ref[...], b_ref[...]], axis=0)
    out_ref[...] = lax.dot_general(
        wt, emb_ref[...],
        (((0,), (1,)), ((), ())),
        preferred_element_type=jnp.float32,
    )


def kernel(center_ids, emb_table, W, b):
    ids = center_ids.astype(jnp.int32)
    packed = _repack(emb_table.T)
    emb = _sc_gather(packed.reshape(_RSTEPS * N_BLK * 8, EMB_D), ids)
    emb_aug = jnp.concatenate(
        [emb, jnp.ones((BATCH, 1), jnp.float32)], axis=1)
    out_t = pl.pallas_call(
        _mm_t_body,
        grid=(pl.cdiv(VOCAB, M_BLK),),
        in_specs=[
            pl.BlockSpec((EMB_D, M_BLK), lambda i: (0, i)),
            pl.BlockSpec((1, M_BLK), lambda i: (0, i)),
            pl.BlockSpec((BATCH, EMB_D + 1), lambda i: (0, 0)),
        ],
        out_specs=pl.BlockSpec((M_BLK, BATCH), lambda i: (i, 0)),
        out_shape=jax.ShapeDtypeStruct((VOCAB, BATCH), jnp.float32),
    )(W.T, b.reshape(1, VOCAB), emb_aug)
    return out_t.T

# --- scband reference (transcript-rebuilt; emitter-appended) ---
"""Pipeline reference for scband-skip-gram-42992622633594 (READ-ONLY COPY).

The authoritative reference and input builder live on the scoring server;
editing this copy changes nothing except your own understanding.
"""

import jax, jax.numpy as jnp
import numpy as np

VOCAB = 100000
EMBED_DIM = 16
BATCH = 1024


def setup_inputs(seed: int = 0) -> dict:
    key = jax.random.key(seed)
    k_ids, k_emb, k_w, k_b = jax.random.split(key, 4)
    center_ids = jax.random.randint(k_ids, (BATCH,), 0, VOCAB, dtype=jnp.int64 if jax.config.jax_enable_x64 else jnp.int32)
    emb_table = jax.random.normal(k_emb, (VOCAB, EMBED_DIM), dtype=jnp.float32) * 0.02
    # torch nn.Linear(embedding_dim, vocab_size): weight [vocab, dim], bias [vocab]
    W = jax.random.normal(k_w, (VOCAB, EMBED_DIM), dtype=jnp.float32) * (1.0 / np.sqrt(EMBED_DIM))
    b = jax.random.normal(k_b, (VOCAB,), dtype=jnp.float32) * 0.01
    return {"center_ids": center_ids, "emb_table": emb_table, "W": W, "b": b}


def reference(center_ids, emb_table, W, b):
    # embedding lookup (SparseCore gather)
    emb = jnp.take(emb_table, center_ids, axis=0)  # [B, D]
    # linear projection to vocab logits: emb @ W.T + b
    logits = emb @ W.T + b  # [B, vocab]
    return logits

if __name__ == "__main__":
    import jax
    _d = setup_inputs()
    print(jax.jit(kernel)(*tuple(_d.values())))

</pallas_src>

<mosaic_0001>
#map = affine_map<(d0, d1) -> (0, 0)>
#map1 = affine_map<(d0, d1) -> (0)>
module attributes {stable_mosaic.version = 14 : i64} {
  func.func @k(%arg0: i32, %arg1: i32, %arg2: memref<114688x16xf32, #tpu.memory_space<hbm>>, %arg3: memref<1024xi32, #tpu.memory_space<hbm>>, %arg4: memref<1024x16xf32, #tpu.memory_space<hbm>>, %arg5: memref<32xi32, #tpu.memory_space<vmem>>, %arg6: memref<32xi32, #tpu.memory_space<vmem>>, %arg7: memref<32x16xf32, #tpu.memory_space<vmem>>, %arg8: memref<!tpu.dma_semaphore, #tpu.memory_space<semaphore_mem>>) attributes {dimension_semantics = [#tpu.dimension_semantics<core_parallel>, #tpu.dimension_semantics<subcore_parallel>], iteration_bounds = array<i64: 2, 16>, scalar_prefetch = 0 : i64, scratch_operands = 4 : i64, tpu.core_type = #tpu.core_type<sc_vector_subcore>, window_params = [{transform_indices = #map}, {transform_indices = #map1}, {transform_indices = #map}]} {
    %mul3A = arith.constant 2 : i32
    %mul3A_0 = arith.muli %arg1, %mul3A : i32
    %add3A = arith.addi %mul3A_0, %arg0 : i32
    %mul3A_1 = arith.constant 32 : i32
    %mul3A_2 = arith.muli %add3A, %mul3A_1 : i32
    "tpu.region"() ({
      %run_scoped3A = tpu.sem_alloc : memref<!tpu.dma_semaphore, #tpu.memory_space<semaphore_mem>>
      %dma_start3A_56 = tpu.memref_slice %arg3[%mul3A_2] : memref<1024xi32, #tpu.memory_space<hbm>> -> memref<32xi32, #tpu.memory_space<hbm>>
      %dma_start3A_57 = tpu.memref_slice %arg3[%mul3A_2] : memref<1024xi32, #tpu.memory_space<hbm>> -> memref<32xi32, #tpu.memory_space<hbm>>
      tpu.enqueue_dma source(%dma_start3A_57 : memref<32xi32, #tpu.memory_space<hbm>>) target(%arg5 : memref<32xi32, #tpu.memory_space<vmem>>) target_semaphore(%run_scoped3A : memref<!tpu.dma_semaphore, #tpu.memory_space<semaphore_mem>>)
      %dma_wait3A_58 = tpu.memref_slice %arg3[%mul3A_2] : memref<1024xi32, #tpu.memory_space<hbm>> -> memref<32xi32, #tpu.memory_space<hbm>>
      %dma_wait3A_59 = tpu.memref_slice %arg3[%mul3A_2] : memref<1024xi32, #tpu.memory_space<hbm>> -> memref<32xi32, #tpu.memory_space<hbm>>
      tpu.wait_dma2 semaphore(%run_scoped3A : memref<!tpu.dma_semaphore, #tpu.memory_space<semaphore_mem>>) src(%dma_wait3A_59 : memref<32xi32, #tpu.memory_space<hbm>>) dst(%arg5 : memref<32xi32, #tpu.memory_space<vmem>>)
      tpu.yield
    }) : () -> ()
    %get3A = arith.constant 0 : index
    %get3A_3 = tpu.vector_load %arg5[%get3A] {strides = array<i32>} : memref<32xi32, #tpu.memory_space<vmem>>, vector<16xi32>,
    %get3A_4 = vector.shape_cast %get3A_3 : vector<16xi32> to vector<16xi32>
    %shift_right_arithmetic3A = arith.constant 14 : i32
    %shift_right_arithmetic3A_5 = vector.broadcast %shift_right_arithmetic3A : i32 to vector<16xi32>
    %shift_right_arithmetic3A_6 = arith.shrsi %get3A_4, %shift_right_arithmetic3A_5 : vector<16xi32>
    %shift_left3A = arith.constant 14 : i32
    %shift_left3A_7 = vector.broadcast %shift_left3A : i32 to vector<16xi32>
    %shift_left3A_8 = arith.shli %shift_right_arithmetic3A_6, %shift_left3A_7 : vector<16xi32>
    %and3A = arith.constant 2047 : i32
    %and3A_9 = vector.broadcast %and3A : i32 to vector<16xi32>
    %and3A_10 = arith.andi %get3A_4, %and3A_9 : vector<16xi32>
    %shift_left3A_11 = arith.constant 3 : i32
    %shift_left3A_12 = vector.broadcast %shift_left3A_11 : i32 to vector<16xi32>
    %shift_left3A_13 = arith.shli %and3A_10, %shift_left3A_12 : vector<16xi32>
    %add3A_14 = arith.addi %shift_left3A_8, %shift_left3A_13 : vector<16xi32>
    %shift_right_arithmetic3A_15 = arith.constant 11 : i32
    %shift_right_arithmetic3A_16 = vector.broadcast %shift_right_arithmetic3A_15 : i32 to vector<16xi32>
    %shift_right_arithmetic3A_17 = arith.shrsi %get3A_4, %shift_right_arithmetic3A_16 : vector<16xi32>
    %and3A_18 = arith.constant 7 : i32
    %and3A_19 = vector.broadcast %and3A_18 : i32 to vector<16xi32>
    %and3A_20 = arith.andi %shift_right_arithmetic3A_17, %and3A_19 : vector<16xi32>
    %add3A_21 = arith.addi %add3A_14, %and3A_20 : vector<16xi32>
    %swap3A = arith.constant 0 : index
    %swap3A_22 = tpu.vector_load %arg6[%swap3A] {strides = array<i32>} : memref<32xi32, #tpu.memory_space<vmem>>, vector<16xi32>,
    %swap3A_23 = vector.shape_cast %swap3A_22 : vector<16xi32> to vector<16xi32>
    %swap3A_24 = vector.shape_cast %add3A_21 : vector<16xi32> to vector<16xi32>
    tpu.vector_store %arg6[%swap3A], %swap3A_24 {strides = array<i32>} : memref<32xi32, #tpu.memory_space<vmem>>, vector<16xi32>,
    %get3A_25 = arith.constant 16 : index
    %get3A_26 = tpu.vector_load %arg5[%get3A_25] {strides = array<i32>} : memref<32xi32, #tpu.memory_space<vmem>>, vector<16xi32>,
    %get3A_27 = vector.shape_cast %get3A_26 : vector<16xi32> to vector<16xi32>
    %shift_right_arithmetic3A_28 = arith.constant 14 : i32
    %shift_right_arithmetic3A_29 = vector.broadcast %shift_right_arithmetic3A_28 : i32 to vector<16xi32>
    %shift_right_arithmetic3A_30 = arith.shrsi %get3A_27, %shift_right_arithmetic3A_29 : vector<16xi32>
    %shift_left3A_31 = arith.constant 14 : i32
    %shift_left3A_32 = vector.broadcast %shift_left3A_31 : i32 to vector<16xi32>
    %shift_left3A_33 = arith.shli %shift_right_arithmetic3A_30, %shift_left3A_32 : vector<16xi32>
    %and3A_34 = arith.constant 2047 : i32
    %and3A_35 = vector.broadcast %and3A_34 : i32 to vector<16xi32>
    %and3A_36 = arith.andi %get3A_27, %and3A_35 : vector<16xi32>
    %shift_left3A_37 = arith.constant 3 : i32
    %shift_left3A_38 = vector.broadcast %shift_left3A_37 : i32 to vector<16xi32>
    %shift_left3A_39 = arith.shli %and3A_36, %shift_left3A_38 : vector<16xi32>
    %add3A_40 = arith.addi %shift_left3A_33, %shift_left3A_39 : vector<16xi32>
    %shift_right_arithmetic3A_41 = arith.constant 11 : i32
    %shift_right_arithmetic3A_42 = vector.broadcast %shift_right_arithmetic3A_41 : i32 to vector<16xi32>
    %shift_right_arithmetic3A_43 = arith.shrsi %get3A_27, %shift_right_arithmetic3A_42 : vector<16xi32>
    %and3A_44 = arith.constant 7 : i32
    %and3A_45 = vector.broadcast %and3A_44 : i32 to vector<16xi32>
    %and3A_46 = arith.andi %shift_right_arithmetic3A_43, %and3A_45 : vector<16xi32>
    %add3A_47 = arith.addi %add3A_40, %and3A_46 : vector<16xi32>
    %swap3A_48 = arith.constant 16 : index
    %swap3A_49 = tpu.vector_load %arg6[%swap3A_48] {strides = array<i32>} : memref<32xi32, #tpu.memory_space<vmem>>, vector<16xi32>,
    %swap3A_50 = vector.shape_cast %swap3A_49 : vector<16xi32> to vector<16xi32>
    %swap3A_51 = vector.shape_cast %add3A_47 : vector<16xi32> to vector<16xi32>
    tpu.vector_store %arg6[%swap3A_48], %swap3A_51 {strides = array<i32>} : memref<32xi32, #tpu.memory_space<vmem>>, vector<16xi32>,
    %dma_start3A = arith.constant 0 : i32
    %dma_start3A_52 = arith.constant 0 : i32
    %dma_start3A_53 = tpu.memref_slice %arg2[%dma_start3A, %dma_start3A_52] : memref<114688x16xf32, #tpu.memory_space<hbm>> -> memref<114688x16xf32, #tpu.memory_space<hbm>>
    tpu.enqueue_indirect_dma source(%dma_start3A_53 : memref<114688x16xf32, #tpu.memory_space<hbm>>) target(%arg7 : memref<32x16xf32, #tpu.memory_space<vmem>>) offsets(%arg6 : memref<32xi32, #tpu.memory_space<vmem>>) semaphore(%arg8 : memref<!tpu.dma_semaphore, #tpu.memory_space<semaphore_mem>>)
    %dma_wait3A = arith.constant 0 : i32
    %dma_wait3A_54 = arith.constant 0 : i32
    %dma_wait3A_55 = tpu.memref_slice %arg2[%dma_wait3A, %dma_wait3A_54] : memref<114688x16xf32, #tpu.memory_space<hbm>> -> memref<114688x16xf32, #tpu.memory_space<hbm>>
    tpu.wait_indirect_dma semaphore(%arg8 : memref<!tpu.dma_semaphore, #tpu.memory_space<semaphore_mem>>) src(%dma_wait3A_55 : memref<114688x16xf32, #tpu.memory_space<hbm>>) dst(%arg7 : memref<32x16xf32, #tpu.memory_space<vmem>>)
    "tpu.region"() ({
      %run_scoped3A = tpu.sem_alloc : memref<!tpu.dma_semaphore, #tpu.memory_space<semaphore_mem>>
      %dma_start3A_56 = arith.constant 0 : i32
      %dma_start3A_57 = tpu.memref_slice %arg4[%mul3A_2, %dma_start3A_56] : memref<1024x16xf32, #tpu.memory_space<hbm>> -> memref<32x16xf32, #tpu.memory_space<hbm>>
      %dma_start3A_58 = arith.constant 0 : i32
      %dma_start3A_59 = tpu.memref_slice %arg4[%mul3A_2, %dma_start3A_58] : memref<1024x16xf32, #tpu.memory_space<hbm>> -> memref<32x16xf32, #tpu.memory_space<hbm>>
      tpu.enqueue_dma source(%arg7 : memref<32x16xf32, #tpu.memory_space<vmem>>) target(%dma_start3A_59 : memref<32x16xf32, #tpu.memory_space<hbm>>) target_semaphore(%run_scoped3A : memref<!tpu.dma_semaphore, #tpu.memory_space<semaphore_mem>>)
      %dma_wait3A_60 = arith.constant 0 : i32
      %dma_wait3A_61 = tpu.memref_slice %arg4[%mul3A_2, %dma_wait3A_60] : memref<1024x16xf32, #tpu.memory_space<hbm>> -> memref<32x16xf32, #tpu.memory_space<hbm>>
      %dma_wait3A_62 = arith.constant 0 : i32
      %dma_wait3A_63 = tpu.memref_slice %arg4[%mul3A_2, %dma_wait3A_62] : memref<1024x16xf32, #tpu.memory_space<hbm>> -> memref<32x16xf32, #tpu.memory_space<hbm>>
      tpu.wait_dma2 semaphore(%run_scoped3A : memref<!tpu.dma_semaphore, #tpu.memory_space<semaphore_mem>>) src(%arg7 : memref<32x16xf32, #tpu.memory_space<vmem>>) dst(%dma_wait3A_63 : memref<32x16xf32, #tpu.memory_space<hbm>>)
      tpu.yield
    }) : () -> ()
    return
  }
}

module attributes {stable_mosaic.version = 14 : i64} {
  func.func @_repack_body(%arg0: i32, %arg1: memref<16x2048xf32, #tpu.memory_space<vmem>>, %arg2: memref<16x2048xf32, #tpu.memory_space<vmem>>, %arg3: memref<16x2048xf32, #tpu.memory_space<vmem>>, %arg4: memref<16x2048xf32, #tpu.memory_space<vmem>>, %arg5: memref<16x2048xf32, #tpu.memory_space<vmem>>, %arg6: memref<16x2048xf32, #tpu.memory_space<vmem>>, %arg7: memref<16x2048xf32, #tpu.memory_space<vmem>>, %arg8: memref<16x2048xf32, #tpu.memory_space<vmem>>, %arg9: memref<2048x128xf32, #tpu.memory_space<vmem>>) attributes {dimension_semantics = [#tpu.dimension_semantics<arbitrary>], iteration_bounds = array<i64: 7>, scalar_prefetch = 0 : i64, scratch_operands = 0 : i64, tpu.core_type = #tpu.core_type<tc>, window_params = [{transform_indices = @transform_0, window_bounds = array<i64: 16, 2048>}, {transform_indices = @transform_1, window_bounds = array<i64: 16, 2048>}, {transform_indices = @transform_2, window_bounds = array<i64: 16, 2048>}, {transform_indices = @transform_3, window_bounds = array<i64: 16, 2048>}, {transform_indices = @transform_4, window_bounds = array<i64: 16, 2048>}, {transform_indices = @transform_5, window_bounds = array<i64: 16, 2048>}, {transform_indices = @transform_6, window_bounds = array<i64: 16, 2048>}, {transform_indices = @transform_7, window_bounds = array<i64: 16, 2048>}, {transform_indices = @transform_8, window_bounds = array<i64: 2048, 128>}]} {
    %get3A = arith.constant 0 : index
    %get3A_0 = arith.constant 0 : index
    %get3A_1 = vector.load %arg1[%get3A, %get3A_0] : memref<16x2048xf32, #tpu.memory_space<vmem>>, vector<16x2048xf32>
    %get3A_2 = arith.constant 0 : index
    %get3A_3 = arith.constant 0 : index
    %get3A_4 = vector.load %arg2[%get3A_2, %get3A_3] : memref<16x2048xf32, #tpu.memory_space<vmem>>, vector<16x2048xf32>
    %get3A_5 = arith.constant 0 : index
    %get3A_6 = arith.constant 0 : index
    %get3A_7 = vector.load %arg3[%get3A_5, %get3A_6] : memref<16x2048xf32, #tpu.memory_space<vmem>>, vector<16x2048xf32>
    %get3A_8 = arith.constant 0 : index
    %get3A_9 = arith.constant 0 : index
    %get3A_10 = vector.load %arg4[%get3A_8, %get3A_9] : memref<16x2048xf32, #tpu.memory_space<vmem>>, vector<16x2048xf32>
    %get3A_11 = arith.constant 0 : index
    %get3A_12 = arith.constant 0 : index
    %get3A_13 = vector.load %arg5[%get3A_11, %get3A_12] : memref<16x2048xf32, #tpu.memory_space<vmem>>, vector<16x2048xf32>
    %get3A_14 = arith.constant 0 : index
    %get3A_15 = arith.constant 0 : index
    %get3A_16 = vector.load %arg6[%get3A_14, %get3A_15] : memref<16x2048xf32, #tpu.memory_space<vmem>>, vector<16x2048xf32>
    %get3A_17 = arith.constant 0 : index
    %get3A_18 = arith.constant 0 : index
    %get3A_19 = vector.load %arg7[%get3A_17, %get3A_18] : memref<16x2048xf32, #tpu.memory_space<vmem>>, vector<16x2048xf32>
    %get3A_20 = arith.constant 0 : index
    %get3A_21 = arith.constant 0 : index
    %get3A_22 = vector.load %arg8[%get3A_20, %get3A_21] : memref<16x2048xf32, #tpu.memory_space<vmem>>, vector<16x2048xf32>
    %concatenate3A = tpu.concatenate %get3A_1, %get3A_4, %get3A_7, %get3A_10, %get3A_13, %get3A_16, %get3A_19, %get3A_22 in 0 : vector<16x2048xf32>, vector<16x2048xf32>, vector<16x2048xf32>, vector<16x2048xf32>, vector<16x2048xf32>, vector<16x2048xf32>, vector<16x2048xf32>, vector<16x2048xf32> -> vector<128x2048xf32>
    %transpose3A = tpu.transpose %concatenate3A, [1, 0] : vector<128x2048xf32> -> vector<2048x128xf32>
    %swap3A = arith.constant 0 : index
    %swap3A_23 = arith.constant 0 : index
    %swap3A_24 = vector.load %arg9[%swap3A, %swap3A_23] : memref<2048x128xf32, #tpu.memory_space<vmem>>, vector<2048x128xf32>
    tpu.vector_store %arg9[%swap3A, %swap3A_23], %transpose3A {strides = array<i32>} : memref<2048x128xf32, #tpu.memory_space<vmem>>, vector<2048x128xf32>,
    return
  }
  func.func @transform_0(%arg0: i32) -> (i32, i32) {
    %mul3A = arith.constant 8 : i32
    %mul3A_0 = arith.muli %mul3A, %arg0 : i32
    %add3A = arith.constant 0 : i32
    %add3A_1 = arith.addi %mul3A_0, %add3A : i32
    %c0_i32 = arith.constant 0 : i32
    %c0_i32_2 = arith.constant 0 : i32
    return %c0_i32, %add3A_1 : i32, i32
  }
  func.func @transform_1(%arg0: i32) -> (i32, i32) {
    %mul3A = arith.constant 8 : i32
    %mul3A_0 = arith.muli %mul3A, %arg0 : i32
    %add3A = arith.constant 1 : i32
    %add3A_1 = arith.addi %mul3A_0, %add3A : i32
    %c0_i32 = arith.constant 0 : i32
    %c0_i32_2 = arith.constant 0 : i32
    return %c0_i32, %add3A_1 : i32, i32
  }
  func.func @transform_2(%arg0: i32) -> (i32, i32) {
    %mul3A = arith.constant 8 : i32
    %mul3A_0 = arith.muli %mul3A, %arg0 : i32
    %add3A = arith.constant 2 : i32
    %add3A_1 = arith.addi %mul3A_0, %add3A : i32
    %c0_i32 = arith.constant 0 : i32
    %c0_i32_2 = arith.constant 0 : i32
    return %c0_i32, %add3A_1 : i32, i32
  }
  func.func @transform_3(%arg0: i32) -> (i32, i32) {
    %mul3A = arith.constant 8 : i32
    %mul3A_0 = arith.muli %mul3A, %arg0 : i32
    %add3A = arith.constant 3 : i32
    %add3A_1 = arith.addi %mul3A_0, %add3A : i32
    %c0_i32 = arith.constant 0 : i32
    %c0_i32_2 = arith.constant 0 : i32
    return %c0_i32, %add3A_1 : i32, i32
  }
  func.func @transform_4(%arg0: i32) -> (i32, i32) {
    %mul3A = arith.constant 8 : i32
    %mul3A_0 = arith.muli %mul3A, %arg0 : i32
    %add3A = arith.constant 4 : i32
    %add3A_1 = arith.addi %mul3A_0, %add3A : i32
    %c0_i32 = arith.constant 0 : i32
    %c0_i32_2 = arith.constant 0 : i32
    return %c0_i32, %add3A_1 : i32, i32
  }
  func.func @transform_5(%arg0: i32) -> (i32, i32) {
    %mul3A = arith.constant 8 : i32
    %mul3A_0 = arith.muli %mul3A, %arg0 : i32
    %add3A = arith.constant 5 : i32
    %add3A_1 = arith.addi %mul3A_0, %add3A : i32
    %c0_i32 = arith.constant 0 : i32
    %c0_i32_2 = arith.constant 0 : i32
    return %c0_i32, %add3A_1 : i32, i32
  }
  func.func @transform_6(%arg0: i32) -> (i32, i32) {
    %mul3A = arith.constant 8 : i32
    %mul3A_0 = arith.muli %mul3A, %arg0 : i32
    %add3A = arith.constant 6 : i32
    %add3A_1 = arith.addi %mul3A_0, %add3A : i32
    %c0_i32 = arith.constant 0 : i32
    %c0_i32_2 = arith.constant 0 : i32
    return %c0_i32, %add3A_1 : i32, i32
  }
  func.func @transform_7(%arg0: i32) -> (i32, i32) {
    %mul3A = arith.constant 8 : i32
    %mul3A_0 = arith.muli %mul3A, %arg0 : i32
    %add3A = arith.constant 7 : i32
    %add3A_1 = arith.addi %mul3A_0, %add3A : i32
    %c0_i32 = arith.constant 0 : i32
    %c0_i32_2 = arith.constant 0 : i32
    return %c0_i32, %add3A_1 : i32, i32
  }
  func.func @transform_8(%arg0: i32) -> (i32, i32) {
    %c0_i32 = arith.constant 0 : i32
    %c0_i32_0 = arith.constant 0 : i32
    return %arg0, %c0_i32 : i32, i32
  }
}

module attributes {stable_mosaic.version = 14 : i64} {
  func.func @_mm_t_body(%arg0: i32, %arg1: memref<16x2048xf32, #tpu.memory_space<vmem>>, %arg2: memref<1x2048xf32, #tpu.memory_space<vmem>>, %arg3: memref<1024x17xf32, #tpu.memory_space<vmem>>, %arg4: memref<2048x1024xf32, #tpu.memory_space<vmem>>) attributes {dimension_semantics = [#tpu.dimension_semantics<arbitrary>], iteration_bounds = array<i64: 49>, scalar_prefetch = 0 : i64, scratch_operands = 0 : i64, tpu.core_type = #tpu.core_type<tc>, window_params = [{transform_indices = @transform_0, window_bounds = array<i64: 16, 2048>}, {transform_indices = @transform_1, window_bounds = array<i64: 1, 2048>}, {pipeline_mode = #tpu.pipeline_mode<synchronous>, transform_indices = @transform_2, window_bounds = array<i64: 1024, 17>}, {transform_indices = @transform_3, window_bounds = array<i64: 2048, 1024>}]} {
    %get3A = arith.constant 0 : index
    %get3A_0 = arith.constant 0 : index
    %get3A_1 = vector.load %arg1[%get3A, %get3A_0] : memref<16x2048xf32, #tpu.memory_space<vmem>>, vector<16x2048xf32>
    %get3A_2 = arith.constant 0 : index
    %get3A_3 = arith.constant 0 : index
    %get3A_4 = vector.load %arg2[%get3A_2, %get3A_3] : memref<1x2048xf32, #tpu.memory_space<vmem>>, vector<1x2048xf32>
    %concatenate3A = tpu.concatenate %get3A_1, %get3A_4 in 0 : vector<16x2048xf32>, vector<1x2048xf32> -> vector<17x2048xf32>
    %get3A_5 = arith.constant 0 : index
    %get3A_6 = arith.constant 0 : index
    %get3A_7 = vector.load %arg3[%get3A_5, %get3A_6] : memref<1024x17xf32, #tpu.memory_space<vmem>>, vector<1024x17xf32>
    %dot_general3A = arith.constant dense<0.000000e+00> : vector<2048x1024xf32>
    %dot_general3A_8 = tpu.matmul %concatenate3A, %get3A_7, %dot_general3A {dimension_numbers = #tpu.dot_dimension_numbers<[0], [1], [1], [0], [0, 1, 1, 0], [], []>, transpose_lhs_hint = false} : vector<17x2048xf32>, vector<1024x17xf32>, vector<2048x1024xf32> -> vector<2048x1024xf32>
    %swap3A = arith.constant 0 : index
    %swap3A_9 = arith.constant 0 : index
    %swap3A_10 = vector.load %arg4[%swap3A, %swap3A_9] : memref<2048x1024xf32, #tpu.memory_space<vmem>>, vector<2048x1024xf32>
    tpu.vector_store %arg4[%swap3A, %swap3A_9], %dot_general3A_8 {strides = array<i32>} : memref<2048x1024xf32, #tpu.memory_space<vmem>>, vector<2048x1024xf32>,
    return
  }
  func.func @transform_0(%arg0: i32) -> (i32, i32) {
    %c0_i32 = arith.constant 0 : i32
    %c0_i32_0 = arith.constant 0 : i32
    return %c0_i32, %arg0 : i32, i32
  }
  func.func @transform_1(%arg0: i32) -> (i32, i32) {
    %c0_i32 = arith.constant 0 : i32
    %c0_i32_0 = arith.constant 0 : i32
    return %c0_i32, %arg0 : i32, i32
  }
  func.func @transform_2(%arg0: i32) -> (i32, i32) {
    %c0_i32 = arith.constant 0 : i32
    %c0_i32_0 = arith.constant 0 : i32
    %c0_i32_1 = arith.constant 0 : i32
    return %c0_i32, %c0_i32_0 : i32, i32
  }
  func.func @transform_3(%arg0: i32) -> (i32, i32) {
    %c0_i32 = arith.constant 0 : i32
    %c0_i32_0 = arith.constant 0 : i32
    return %arg0, %c0_i32 : i32, i32
  }
}

</mosaic_0001>

<sc_bundles>
// kernel: kernel.5.cloned.1.call-start
scs
__scs_entry_jumppad:
0x0: {  	(pc) =	sbr.rel $0x88, $3  }
0x1: {  	(tag) =	ssettag $0x0;
	lr =	simm.s32 $0x1  }
0x2: {  	[smem:$0x3F9D] =	sst lr;
	_ =	strace $0xD0000000  }
0x3: {  	_ = 	snop  }
0x4: {  	_ = 	snop  }
0x5: {  	_ = 	snop  }
0x6: {  	_ = 	snop  }
0x7: {  	_ = 	snop  }
__scs_overlays_trampoline_lowered:
0x8: {  	[smem:$0x3FAC] =	sst s0  }
0x9: {  	[smem:$0x3FAD] =	sst s1  }
0xa: {  	[smem:$0x3FAE] =	sst s2  }
0xb: {  	[smem:$0x3FAF] =	sst s3  }
0xc: {  	[smem:$0x3FB0] =	sst s4  }
0xd: {  	[smem:$0x3FB1] =	sst s5  }
0xe: {  	[smem:$0x3FB2] =	sst s6  }
0xf: {  	[smem:$0x3FB3] =	sst s7  }
0x10: {  	[smem:$0x3FB4] =	sst s8  }
0x11: {  	[smem:$0x3FB5] =	sst s9;
	s0 =	simm.s32 @!p0 $0x0  }
0x12: {  	s1 =	sld [smem:$0x3F9B];
	s0 =	simm.s32 @p0 $0x1  }
0x13: {  	[smem:$0x3FB6] =	sst s0;
	s0 =	simm.s32 @!p1 $0x0  }
0x14: {  	s2 =	sld [smem:$0x3F9A];
	s0 =	simm.s32 @p1 $0x1  }
0x15: {  	[smem:$0x3FB7] =	sst s0;
	s0 =	simm.s32 @!p2 $0x0  }
0x16: {  	s3 =	sld [smem:$0x3FDB];
	s0 =	simm.s32 @p2 $0x1  }
0x17: {  	s4 =	simm.s32 $0x1BF5;
	[smem:$0x3FB9] =	sst s0  }
0x18: {  	s0 =	sld [smem:$0x3F9C];
	_ =	swait.ge [sflag:s4], $0x0  }
0x19: {  	s7 =	sld [smem:$0x3F9D]  }
0x1a: {  	s8 =	sadd.s32 $0xFFFFE003, lr  }
0x1b: {  	s9 =	sadd.s32 $0xFFFFFEF7, lr;
	s5 =	simm.s32 $0xFFFFFFFF;
	p2 =	slt.u32 s8, $0xFFFFF086  }
0x1c: {  	p1 =	slt.u32 s9, $0xF7A;
	s5 =	simm.s32 @!p2 $0x0  }
0x1d: {  	s5 =	simm.s32 @p1 $0x1;
	p0 =	seq.s32 s7, s2  }
0x1e: {  	s7 =	smul.u32 @!p0 $0xF7A, s2;
	p2 =	seq.s32 @!p0 s5, $0x0  }
0x1f: {  	s9 =	smul.u32 $0xF7A, s1;
	s8 =	simm.s32 @!p0 $0x1BF5;
	p2 =	por !p2, p0  }
0x20: {  	[sflag:s8] =	ssyncset.s32 @!p0 $0xFFFFF086;
	s6 =	sadd.s32 @!p0 s3, s7;
	s7 =	simm.s32 @!p0 $0x108  }
0x21: {  	s3 =	sadd.s32 s3, s9;
	s6 =	sadd.s32 @!p0 $0x88, s6;
	s7 =	simm.s32 @p2 $0x1082  }
0x22: {  	[simem:s7], [sflag:s8] =	dma.local @!p0 [hbm:s6], $0xF7A  }
0x23: {  	s9 =	sor.u32 $0xD0000000, s2;
	s6 =	simm.s32 $0x108;
	_ =	swait.ge @!p0 [sflag:s8], $0x0  }
0x24: {  	s3 =	sadd.s32 $0x88, s3;
	s6 =	simm.s32 @!p1 $0x1082;
	[sflag:s4] =	ssyncset.s32 $0xFFFFF086  }
0x25: {  	[simem:s6], [sflag:s4] =	dma.local [hbm:s3], $0xF7A  }
0x26: {  	[smem:$0x3F9D] =	sst s1;
	(tag) =	ssettag s2;
	_ =	strace s9  }
0x27: {  	s1 =	sld [smem:$0x3FAD]  }
0x28: {  	s2 =	sld [smem:$0x3FAE]  }
0x29: {  	s4 =	sld [smem:$0x3FB0]  }
0x2a: {  	p0 =	seq.s32 s5, $0x0;
	s5 =	sld [smem:$0x3FB1]  }
0x2b: {  	s6 =	sld [smem:$0x3FB2]  }
0x2c: {  	s7 =	sld [smem:$0x3FB3]  }
0x2d: {  	s3 =	simm.s32 $0x108;
	s8 =	sld [smem:$0x3FB4]  }
0x2e: {  	s3 =	simm.s32 @!p0 $0x1082;
	s9 =	sld [smem:$0x3FB5]  }
0x2f: {  	lr =	sadd.s32 s0, s3;
	s0 =	sld [smem:$0x3FAC]  }
0x30: {  	s3 =	sld [smem:$0x3FAF]  }
0x31: {  	[smem:$0x3FB8] =	sst s10  }
0x32: {  	s10 =	sld [smem:$0x3FB6];
	_ =	sdelay $0x3  }
0x33: {  	p0 =	seq.s32 s10, $0x1;
	s10 =	sld [smem:$0x3FB8];
	_ =	sdelay $0x3  }
0x34: {  	[smem:$0x3FB8] =	sst s10  }
0x35: {  	s10 =	sld [smem:$0x3FB7];
	_ =	sdelay $0x3  }
0x36: {  	p1 =	seq.s32 s10, $0x1;
	s10 =	sld [smem:$0x3FB8];
	_ =	sdelay $0x3  }
0x37: {  	[smem:$0x3FB8] =	sst s10  }
0x38: {  	s10 =	sld [smem:$0x3FB9]  }
0x39: {  	_ = 	snop;
	(pc) =	sbr.ind lr, $3  }
0x3a: {  	_ = 	snop  }
0x3b: {  	_ = 	snop  }
0x3c: {  	p2 =	seq.s32 s10, $0x1;
	s10 =	sld [smem:$0x3FB8]  }
0x3d: {  	_ =	shalt  }
0x3e: {  	_ =	shalt  }
0x3f: {  	_ =	shalt  }
0x40: {  	_ =	shalt  }
0x41: {  	_ =	shalt  }
0x42: {  	_ =	shalt  }
0x43: {  	_ =	shalt  }
0x44: {  	_ =	shalt  }
0x45: {  	_ =	shalt  }
0x46: {  	_ =	shalt  }
0x47: {  	_ =	shalt  }
0x48: {  	_ =	shalt  }
0x49: {  	_ =	shalt  }
0x4a: {  	_ =	shalt  }
0x4b: {  	_ =	shalt  }
0x4c: {  	_ =	shalt  }
0x4d: {  	_ =	shalt  }
0x4e: {  	_ =	shalt  }
0x4f: {  	_ =	shalt  }
0x50: {  	_ =	shalt  }
0x51: {  	_ =	shalt  }
0x52: {  	_ =	shalt  }
0x53: {  	_ =	shalt  }
0x54: {  	_ =	shalt  }
0x55: {  	_ =	shalt  }
0x56: {  	_ =	shalt  }
0x57: {  	_ =	shalt  }
0x58: {  	_ =	shalt  }
0x59: {  	_ =	shalt  }
0x5a: {  	_ =	shalt  }
0x5b: {  	_ =	shalt  }
0x5c: {  	_ =	shalt  }
0x5d: {  	_ =	shalt  }
0x5e: {  	_ =	shalt  }
0x5f: {  	_ =	shalt  }
0x60: {  	_ =	shalt  }
0x61: {  	_ =	shalt  }
0x62: {  	_ =	shalt  }
0x63: {  	_ =	shalt  }
0x64: {  	_ =	shalt  }
0x65: {  	_ =	shalt  }
0x66: {  	_ =	shalt  }
0x67: {  	_ =	shalt  }
0x68: {  	_ =	shalt  }
0x69: {  	_ =	shalt  }
0x6a: {  	_ =	shalt  }
0x6b: {  	_ =	shalt  }
0x6c: {  	_ =	shalt  }
0x6d: {  	_ =	shalt  }
0x6e: {  	_ =	shalt  }
0x6f: {  	_ =	shalt  }
0x70: {  	_ =	shalt  }
0x71: {  	_ =	shalt  }
0x72: {  	_ =	shalt  }
0x73: {  	_ =	shalt  }
0x74: {  	_ =	shalt  }
0x75: {  	_ =	shalt  }
0x76: {  	_ =	shalt  }
0x77: {  	_ =	shalt  }
0x78: {  	_ =	shalt  }
0x79: {  	_ =	shalt  }
0x7a: {  	_ =	shalt  }
0x7b: {  	_ =	shalt  }
0x7c: {  	_ =	shalt  }
0x7d: {  	_ =	shalt  }
0x7e: {  	_ =	shalt  }
0x7f: {  	_ =	shalt  }
0x80: {  	_ =	shalt  }
0x81: {  	_ =	shalt  }
0x82: {  	_ =	shalt  }
0x83: {  	_ =	shalt  }
0x84: {  	_ =	shalt  }
0x85: {  	_ =	shalt  }
0x86: {  	_ =	shalt  }
0x87: {  	_ =	shalt  }
.Lfunc_end0:
.L_simem_size_0:
called_computation_lowered:
.L_overlay_start_0:
0x88: {  	s2 =	sld [smem:$0x3FD9]  }
0x89: {  	s3 =	sld [smem:$0x3FFE];
	_ =	sdelay $0x1  }
0x8a: {  	s1 =	srdreg.scid  }
0x8b: {  	s0 =	sand.u32 $0x1, s1  }
0x8c: {  	s17 =	sshll.u32 s0, $0xA;
	s2 =	sadd.s32 s3, s2  }
0x8d: {  	s2 =	sadd.s32 s2, s17  }
0x8e: {  	[smem:$0x3FC4] =	sst s2  }
0x8f: {  	_ = 	snop  }
0x90: {  	s2 =	sld [smem:$0x3FC9]  }
0x91: {  	s18 =	sld [smem:$0x3FD0];
	(tm) =	ssettm $0x1  }
0x92: {  	s4 =	sld [smem:$0x3FFB];
	_ =	sdelay $0x3  }
0x93: {  	_ =	strace s4  }
0x94: {  	s4 =	sld [smem:$0x3FFC];
	_ =	sdelay $0x3  }
0x95: {  	_ =	strace s4  }
0x96: {  	s4 =	sld [smem:$0x3FFD];
	_ =	sdelay $0x3  }
0x97: {  	_ =	strace s4  }
0x98: {  	_ =	strace $0x8FFFFFFF  }
0x99: {  	s19 =	sld [smem:$0x3FDB];
	_ =	sdelay $0x1  }
0x9a: {  	s5 =	simm.s32 $_scs_section_size  }
0x9b: {  	s6 =	simm.s32 $_size__tile_overlayer_lowered;
	s7 =	simm.s32 $_tile_overlayer_lowered  }
0x9c: {  	s22 =	simm.s32 $0x1BFF;
	s21 =	sshll.u32 s7, $0x1;
	s4 =	sadd.s32 s5, s19  }
0x9d: {  	s8 =	simm.s32 $0x0;
	s20 =	sshll.u32 s6, $0x1;
	s6 =	sadd.s32 s21, s4  }
0x9e: {  	[timem:s8], [sflag:s22] =	dma.local [hbm:s6], s20  }
0x9f: {  	_ =	swait.ge [sflag:s22], s20  }
0xa0: {  	s5 =	ssub.s32 $0x0, s20;
	[sflag:s22] =	ssyncset.done $0x0  }
0xa1: {  	[sflag:s22] =	ssyncadd.s32 s5;
	_ =	sdelay $0x1  }
0xa2: {  	s23 =	simm.s32 $0x1B8B  }
0xa3: {  	_ =	swait.ge [sflag:s23], $0x1  }
0xa4: {  	[sflag:s23] =	ssyncset.done $0x0  }
0xa5: {  	s25 =	simm.s32 $0x1B8E;
	s24 =	sld [smem:$0x3FFE];
	[sflag:s23] =	ssyncadd.s32 $0xFFFFFFFF  }
0xa6: {  	s26 =	simm.s32 $execute0_lowered;
	[smem:$0x3FD2] =	sst s25  }
0xa7: {  	s6 =	sshll.u32 s26, $0x1;
	_ =	strace $0x80000046;
	[dreg:$0x1] =	wrdreg $0xFFFFFFFF  }
0xa8: {  	s28 =	simm.s32 $_size_execute0_lowered;
	s4 =	sadd.s32 s4, s6;
	[dreg:$0x0] =	wrdreg $0x0  }
0xa9: {  	s6 =	sshll.u32 s28, $0x1;
	[dreg:$0x2] =	wrdreg s4  }
0xaa: {  	[dreg:$0x3] =	wrdreg s6  }
0xab: {  	[dreg:$0x4] =	wrdreg $0xC0  }
0xac: {  	_ =	task [dreg:s8], $0x5FFFF  }
0xad: {  	[dreg:$0x1] =	wrdreg $0xFFFFFFFF  }
0xae: {  	[dreg:$0x0] =	wrdreg $0x60  }
0xaf: {  	[dreg:$0x2] =	wrdreg s18  }
0xb0: {  	[dreg:$0x3] =	wrdreg s2  }
0xb1: {  	[dreg:$0x4] =	wrdreg s24  }
0xb2: {  	[dreg:$0x5] =	wrdreg $0x9  }
0xb3: {  	_ =	task.clear_ibuf [dreg:s8], $0x6FFFF;
	_ =	strace $0x90000046  }
0xb4: {  	s29 =	simm.s32 $0x9;
	_ =	strace $0x80000048  }
0xb5: {  	_ =	swait.ge [sflag:s29], $0x1  }
0xb6: {  	[sflag:s29] =	ssyncadd.s32 $0xFFFFFFFF  }
0xb7: {  	_ =	strace $0x90000048  }
0xb8: {  	_ =	sfence  }
0xb9: {  	s30 =	sld [smem:$0x0];
	_ =	sdelay $0x2  }
0xba: {  	s31 =	sshll.u32 s1, $0xD;
	s1 =	sshrl.u32 s1, $0x2  }
0xbb: {  	s3 =	sand.u32 $0x4000, s31;
	s1 =	sadd.s32 s1, s30  }
0xbc: {  	s0 =	sor.u32 s3, s0;
	s1 =	sshll.u32 s1, $0x11  }
0xbd: {  	s0 =	sor.u32 s1, s0  }
0xbe: {  	s0 =	sadd.s32 $0x8F2B, s0  }
0xbf: {  	[sflag:s0] =	ssyncadd.remote.s32 $0x1  }
0xc0: {  	_ =	sfence.sel $0xFFFF  }
0xc1: {  	[dreg:$0x0] =	wrdreg $0xFFFFFFFF;
	(pc) =	sbr.abs _section_cstart, $3  }
0xc2: {  	[dreg:$0x1] =	wrdreg $0xFFFFFFFF  }
0xc3: {  	_ =	task.clear_ibuf [dreg:s8], $0x2FFFF;
	_ =	strace $0x9FFFFFFF  }
0xc4: {  	(tm) =	ssettm $0x7FFFFFFF  }
0xc5: {  	_ =	shalt  }
tec
execute0_lowered:
.L_overlay_start_1:
0x0: {  	(tag) =	ssettag $0x1  }
0x1: {  	s2 =	rddreg [dreg:$0x0];
	s1 =	srdreg.scid  }
0x2: {  	s4 =	rddreg [dreg:$0x1];
	s0 =	stileid.u32;
	s6 =	sand.u32 $0x1, s1  }
0x3: {  	s9 =	rddreg [dreg:$0x2];
	s5 =	sshll.u32 s0, $0x6;
	s7 =	sshll.u32 s6, $0x5  }
0x4: {  	s3 =	simm.s32 $0x0;
	s1 =	rddreg [dreg:$0x3];
	s10 =	sor.u32 s7, s5  }
0x5: {  	[smem:$0x7FF] =	sst s3;
	s5 =	sshrl.u32 s10, $0x3  }
0x6: {  	_ =	strace $0x80000047;
	s5 =	sadd.s32 s4, s5;
	s4 =	simm.s32 $0x2  }
0x7: {  	[tilespmem:s3], [sflag:$0x2] =	stream.linear.gather [hbm4b:s5+s3], $0x20, $0x38;
	[tilespmem:$0x240] =	vst v63  }
0x8: {  	_ =	swait.ge [sflag:s4], $0x20  }
0x9: {  	[sflag:s4] =	ssyncset.done $0x0  }
0xa: {  	[sflag:s4] =	ssyncadd.s32 $0xFFFFFFE0  }
0xb: {  	v0 =	vld [tilespmem:$0x0]  }
0xc: {  	v1 =	vld [tilespmem:$0x10];
	_ =	sdelay $0x3  }
0xd: {  	v2 =	vshll.u32 v0, $0x3  }
0xe: {  	v3 =	vand.u32 $0xFFFFC000, v0;
	v0 =	vshrl.u32 v0, $0xB;
	v61 =	vshll.u32 v1, $0x3  }
0xf: {  	s11 =	ssub.s32 $0x2, s6;
	v4 =	vand.u32 $0xFFFFC000, v1;
	v1 =	vshrl.u32 v1, $0xB;
	v2 =	vand.u32 $0x3FF8, v2  }
0x10: {  	s12 =	sshrl.u32 s11, $0x1;
	v0 =	vand.u32 $0x7, v0;
	v2 =	vor.u32 v3, v2;
	v3 =	vand.u32 $0x3FF8, v61  }
0x11: {  	s10 =	sshll.u32 s10, $0x1;
	s31 =	ssub.s32 s11, s12;
	v1 =	vand.u32 $0x7, v1;
	v0 =	vor.u32 v0, v2;
	v62 =	vor.u32 v4, v3  }
0x12: {  	s9 =	sadd.s32 s10, s9;
	s10 =	smax.u32 s31, $0x1;
	[tilespmem:$0x20] =	vst v0;
	v63 =	vor.u32 v1, v62  }
0x13: {  	s6 =	simm.s32 $0x20;
	s7 =	simm.s32 $0x40;
	p0 =	sne.s32 s10, $0x1;
	[tilespmem:$0x30] =	vst v63  }
0x14: {  	[tilespmem:s7], [sflag:$0x1] =	stream.indirect.gather [hbm4b:s2+s6], $0x10, s6, s6, $0xb8;
	[tilespmem:$0x240] =	vst v63  }
.Ltmp0:
0x15: {  	s8 =	simm.s32 $0x1;
	(pc) =	sbr.rel @!p0 .LBB2_2-.Ltmp0, $4  }
0x16: {  	_ =	swait.ge [sflag:s8], $0x200  }
0x17: {  	[sflag:s8] =	ssyncset.done $0x0  }
0x18: {  	s9 =	sadd.s32 $0x1000, s9;
	s10 =	sadd.s32 $0xFFFFFFFF, s10;
	[sflag:s8] =	ssyncadd.s32 $0xFFFFFE00  }
0x19: {  	[hbm4b:s9+s3] =	stream.linear.scatter [tilespmem:s7], [sflag:$0x2], $0x200, $0x38;
	[tilespmem:$0x240] =	vst v63  }
.LBB2_1:
0x1a: {  	p0 =	sne.s32 s10, $0x1;
	s10 =	sadd.s32 $0xFFFFFFFF, s10;
	_ =	swait.ge [sflag:s4], $0x200  }
0x1b: {  	[sflag:s4] =	ssyncset.done $0x0  }
0x1c: {  	[sflag:s4] =	ssyncadd.s32 $0xFFFFFE00  }
0x1d: {  	[tilespmem:s3], [sflag:$0x2] =	stream.linear.gather [hbm4b:s5+s3], $0x20, $0x38;
	[tilespmem:$0x240] =	vst v63  }
0x1e: {  	_ =	swait.ge [sflag:s4], $0x20  }
0x1f: {  	[sflag:s4] =	ssyncset.done $0x0  }
0x20: {  	[sflag:s4] =	ssyncadd.s32 $0xFFFFFFE0  }
0x21: {  	v0 =	vld [tilespmem:$0x0]  }
0x22: {  	v1 =	vld [tilespmem:$0x10];
	_ =	sdelay $0x3  }
0x23: {  	v2 =	vand.u32 $0xFFFFC000, v0;
	v3 =	vshll.u32 v0, $0x3;
	v0 =	vshrl.u32 v0, $0xB  }
0x24: {  	v3 =	vand.u32 $0x3FF8, v3;
	v0 =	vand.u32 $0x7, v0;
	v4 =	vand.u32 $0xFFFFC000, v1  }
0x25: {  	v2 =	vor.u32 v2, v3;
	v3 =	vshll.u32 v1, $0x3;
	v1 =	vshrl.u32 v1, $0xB  }
0x26: {  	v0 =	vor.u32 v0, v2;
	v2 =	vand.u32 $0x3FF8, v3;
	v1 =	vand.u32 $0x7, v1  }
0x27: {  	[tilespmem:$0x20] =	vst v0;
	v0 =	vor.u32 v4, v2  }
0x28: {  	v0 =	vor.u32 v1, v0  }
0x29: {  	[tilespmem:$0x30] =	vst v0  }
0x2a: {  	[tilespmem:s7], [sflag:$0x1] =	stream.indirect.gather [hbm4b:s2+s6], $0x10, s6, s6, $0xb8;
	[tilespmem:$0x240] =	vst v63  }
.Ltmp1:
0x2b: {  	_ = 	snop;
	(pc) =	sbr.rel @p0 .LBB2_1-.Ltmp1, $4  }
0x2c: {  	_ =	swait.ge [sflag:s8], $0x200  }
0x2d: {  	[sflag:s8] =	ssyncset.done $0x0  }
0x2e: {  	[sflag:s8] =	ssyncadd.s32 $0xFFFFFE00  }
0x2f: {  	[hbm4b:s9+s3] =	stream.linear.scatter [tilespmem:s7], [sflag:$0x2], $0x200, $0x38;
	[tilespmem:$0x240] =	vst v63  }
.LBB2_2:
0x30: {  	_ =	swait.ge [sflag:s4], $0x200  }
0x31: {  	[sflag:s4] =	ssyncset.done $0x0  }
0x32: {  	[sflag:s4] =	ssyncadd.s32 $0xFFFFFE00  }
0x33: {  	_ =	sfence.sel $0x180000  }
0x34: {  	[bflag:$0x0] =	sbarrier.arrive $0xFFFF  }
0x35: {  	p0 =	sne.s32 s0, $0x0;
	_ =	strace $0x90000047  }
0x36: {  	s0 =	sadd.s32 @!p0 $0x100000, s1;
	[bflag:$0x2] =	sbarrier.arrive $0xFFFF  }
0x37: {  	[sflag:s0] =	ssyncadd.tile.s32 @!p0 $0x1;
	_ =	shalt  }
.Lfunc_end2:
_tile_overlayer_lowered:
.L_overlay_start_2:
0x38: {  	(tag) =	ssettag $0x2  }
0x39: {  	s0 =	rddreg [dreg:$0x0];
	s2 =	stileid.u32  }
0x3a: {  	s1 =	rddreg [dreg:$0x1];
	p0 =	sne.s32 s2, $0x0  }
0x3b: {  	s3 =	rddreg [dreg:$0x2];
	[bflag:$0x3] =	sbarrier.arrive $0xFFFF;
	s2 =	simm.s32 @!p0 $0x1C02  }
0x3c: {  	[timem:s3], [sflag:s2] =	dma.local @!p0 [hbm:s0], s1  }
0x3d: {  	s0 =	simm.s32 @!p0 $0x2  }
0x3e: {  	_ =	swait.ge @!p0 [sflag:s0], s1  }
0x3f: {  	s1 =	ssub.s32 @!p0 $0x0, s1;
	[sflag:s0] =	ssyncset.done @!p0 $0x0  }
0x40: {  	[sflag:s0] =	ssyncadd.s32 @!p0 s1  }
0x41: {  	[bflag:$0x3] =	sbarrier.arrive $0xFFFF  }
0x42: {  	_ =	shalt  }

</sc_bundles>
